<compile_context>
chip_gen: v7x
topology: tpu7x:2x2x1
jax: 0.10.2.dev20260603
libtpu: 0.0.44.dev20260713+nightly
codegen_flags: <defaults>
</compile_context>

<pallas_src>
import functools

import jax
import jax.numpy as jnp
from jax import lax
from jax.experimental import pallas as pl
from jax.experimental.pallas import tpu as pltpu
from jax.experimental.pallas import tpu_sc as plsc

N_FEATURES = 40960
BATCH = 16384
L = 32

NUM_CORES = 2
NUM_SUBCORES = 16
NUM_WORKERS = NUM_CORES * NUM_SUBCORES
ROWS_PER_W = BATCH // NUM_WORKERS
TBL = N_FEATURES + 1


def _psqt_body(ics_hbm, tbl_hbm, out_hbm, idx_v, tbl_v, out_v, sem_i, sem_t):
    wid = lax.axis_index("s") * NUM_CORES + lax.axis_index("c")
    row_base = wid * ROWS_PER_W

    cp_t = pltpu.async_copy(tbl_hbm, tbl_v, sem_t)
    cp_i = pltpu.async_copy(ics_hbm.at[:, pl.ds(row_base, ROWS_PER_W)], idx_v,
                            sem_i)
    cp_i.wait()
    cp_t.wait()

    def group(g, carry):
        base = g * 16
        acc = [jnp.zeros((16,), jnp.float32) for _ in range(4)]
        for l in range(L):
            idx = idx_v[l, pl.ds(base, 16)] + 1
            acc[l % 4] = acc[l % 4] + plsc.load_gather(tbl_v, [idx])
        out_v[pl.ds(base, 16)] = (acc[0] + acc[1]) + (acc[2] + acc[3])
        return carry

    lax.fori_loop(0, ROWS_PER_W // 16, group, 0)
    pltpu.sync_copy(out_v, out_hbm.at[pl.ds(row_base, ROWS_PER_W)])


@jax.jit
def kernel(ics, weight):
    ics_t = ics.T
    tbl = weight[:, 0]
    mesh = plsc.VectorSubcoreMesh(core_axis_name="c", subcore_axis_name="s")
    out = pl.kernel(
        _psqt_body,
        out_type=jax.ShapeDtypeStruct((BATCH,), jnp.float32),
        mesh=mesh,
        scratch_types=[
            pltpu.VMEM((L, ROWS_PER_W), jnp.int32),
            pltpu.VMEM((TBL,), jnp.float32),
            pltpu.VMEM((ROWS_PER_W,), jnp.float32),
            pltpu.SemaphoreType.DMA,
            pltpu.SemaphoreType.DMA,
        ],
        compiler_params=pltpu.CompilerParams(
            needs_layout_passes=False, use_tc_tiling_on_sc=True),
    )(ics_t, tbl)
    return out.reshape(BATCH, 1)

# --- scband reference (transcript-rebuilt; emitter-appended) ---
"""Pipeline reference for scband-psqt-81930796139025 (READ-ONLY COPY).

The authoritative reference and input builder live on the scoring server;
editing this copy changes nothing except your own understanding.
"""

import jax, jax.numpy as jnp
import numpy as np

N_FEATURES = 40960  # HalfKP: 64 king squares * 64 squares * 10 piece types
BATCH = 16384
L = 32


def setup_inputs(seed: int = 0) -> dict:
    key = jax.random.key(seed)
    k_idx, k_w = jax.random.split(key)
    # indices in [0, N_FEATURES); module adds 1 so padding row 0 is reserved
    ics = jax.random.randint(k_idx, (BATCH, L), 0, N_FEATURES)
    # embedding table: (N_FEATURES + 1, 1), padding_idx=0 row zeroed.
    # Original init fills piece-square values in [-1025/400, 1025/400]; use
    # small random values of comparable scale (exact PSQT init needs the
    # chess package; math of forward is unchanged).
    weight = jax.random.normal(k_w, (N_FEATURES + 1, 1), dtype=jnp.float32) * 0.05
    weight = weight.at[0].set(0.0)  # padding_idx=0
    return {"ics": ics, "weight": weight}


def reference(ics, weight):
    # x = emb(ics + 1).sum(dim=(1, 2)); return x.view(-1, 1)
    x = jnp.take(weight, ics + 1, axis=0)  # [B, L, 1] gather
    x = x.sum(axis=(1, 2))                 # [B]
    return x.reshape(-1, 1)                # [B, 1]

if __name__ == "__main__":
    import jax
    _d = setup_inputs()
    print(jax.jit(kernel)(*tuple(_d.values())))

</pallas_src>

<mosaic_0001>
#map = affine_map<(d0, d1) -> (0, 0)>
#map1 = affine_map<(d0, d1) -> (0)>
module attributes {stable_mosaic.version = 14 : i64} {
  func.func @_psqt_body(%arg0: i32, %arg1: i32, %arg2: memref<32x16384xi32, #tpu.memory_space<hbm>>, %arg3: memref<40961xf32, #tpu.memory_space<hbm>>, %arg4: memref<16384xf32, #tpu.memory_space<hbm>>, %arg5: memref<32x512xi32, #tpu.memory_space<vmem>>, %arg6: memref<40961xf32, #tpu.memory_space<vmem>>, %arg7: memref<512xf32, #tpu.memory_space<vmem>>, %arg8: memref<!tpu.dma_semaphore, #tpu.memory_space<semaphore_mem>>, %arg9: memref<!tpu.dma_semaphore, #tpu.memory_space<semaphore_mem>>) attributes {dimension_semantics = [#tpu.dimension_semantics<core_parallel>, #tpu.dimension_semantics<subcore_parallel>], iteration_bounds = array<i64: 2, 16>, scalar_prefetch = 0 : i64, scratch_operands = 5 : i64, tpu.core_type = #tpu.core_type<sc_vector_subcore>, window_params = [{transform_indices = #map}, {transform_indices = #map1}, {transform_indices = #map1}]} {
    %mul3A = arith.constant 2 : i32
    %mul3A_0 = arith.muli %arg1, %mul3A : i32
    %add3A = arith.addi %mul3A_0, %arg0 : i32
    %mul3A_1 = arith.constant 512 : i32
    %mul3A_2 = arith.muli %add3A, %mul3A_1 : i32
    tpu.enqueue_dma source(%arg3 : memref<40961xf32, #tpu.memory_space<hbm>>) target(%arg6 : memref<40961xf32, #tpu.memory_space<vmem>>) target_semaphore(%arg9 : memref<!tpu.dma_semaphore, #tpu.memory_space<semaphore_mem>>)
    %dma_start3A = arith.constant 0 : i32
    %dma_start3A_3 = tpu.memref_slice %arg2[%dma_start3A, %mul3A_2] : memref<32x16384xi32, #tpu.memory_space<hbm>> -> memref<32x512xi32, #tpu.memory_space<hbm>>
    %dma_start3A_4 = arith.constant 0 : i32
    %dma_start3A_5 = tpu.memref_slice %arg2[%dma_start3A_4, %mul3A_2] : memref<32x16384xi32, #tpu.memory_space<hbm>> -> memref<32x512xi32, #tpu.memory_space<hbm>>
    tpu.enqueue_dma source(%dma_start3A_5 : memref<32x512xi32, #tpu.memory_space<hbm>>) target(%arg5 : memref<32x512xi32, #tpu.memory_space<vmem>>) target_semaphore(%arg8 : memref<!tpu.dma_semaphore, #tpu.memory_space<semaphore_mem>>)
    %dma_wait3A = arith.constant 0 : i32
    %dma_wait3A_6 = tpu.memref_slice %arg2[%dma_wait3A, %mul3A_2] : memref<32x16384xi32, #tpu.memory_space<hbm>> -> memref<32x512xi32, #tpu.memory_space<hbm>>
    %dma_wait3A_7 = arith.constant 0 : i32
    %dma_wait3A_8 = tpu.memref_slice %arg2[%dma_wait3A_7, %mul3A_2] : memref<32x16384xi32, #tpu.memory_space<hbm>> -> memref<32x512xi32, #tpu.memory_space<hbm>>
    tpu.wait_dma2 semaphore(%arg8 : memref<!tpu.dma_semaphore, #tpu.memory_space<semaphore_mem>>) src(%dma_wait3A_8 : memref<32x512xi32, #tpu.memory_space<hbm>>) dst(%arg5 : memref<32x512xi32, #tpu.memory_space<vmem>>)
    tpu.wait_dma2 semaphore(%arg9 : memref<!tpu.dma_semaphore, #tpu.memory_space<semaphore_mem>>) src(%arg3 : memref<40961xf32, #tpu.memory_space<hbm>>) dst(%arg6 : memref<40961xf32, #tpu.memory_space<vmem>>)
    %scan3A = arith.constant 0 : i32
    %scan3A_9 = arith.constant 0 : i32
    %scan3A_10 = arith.constant 32 : i32
    %scan3A_11 = arith.addi %scan3A_9, %scan3A_10 : i32
    %scan3A_12 = arith.constant 1 : i32
    scf.for %scan3A_14 = %scan3A_9 to %scan3A_11 step %scan3A_12  : i32 {
      %mul3A_15 = arith.constant 16 : i32
      %mul3A_16 = arith.muli %scan3A_14, %mul3A_15 : i32
      %broadcast_in_dim3A = arith.constant 0.000000e+00 : f32
      %broadcast_in_dim3A_17 = vector.broadcast %broadcast_in_dim3A : f32 to vector<16xf32>
      %broadcast_in_dim3A_18 = arith.constant 0.000000e+00 : f32
      %broadcast_in_dim3A_19 = vector.broadcast %broadcast_in_dim3A_18 : f32 to vector<16xf32>
      %broadcast_in_dim3A_20 = arith.constant 0.000000e+00 : f32
      %broadcast_in_dim3A_21 = vector.broadcast %broadcast_in_dim3A_20 : f32 to vector<16xf32>
      %broadcast_in_dim3A_22 = arith.constant 0.000000e+00 : f32
      %broadcast_in_dim3A_23 = vector.broadcast %broadcast_in_dim3A_22 : f32 to vector<16xf32>
      %get3A = arith.constant 0 : i32
      %get3A_24 = arith.index_cast %get3A : i32 to index
      %get3A_25 = arith.index_cast %mul3A_16 : i32 to index
      %get3A_26 = tpu.vector_load %arg5[%get3A_24, %get3A_25] {strides = array<i32>} : memref<32x512xi32, #tpu.memory_space<vmem>>, vector<16xi32>,
      %add3A_27 = arith.constant 1 : i32
      %add3A_28 = vector.broadcast %add3A_27 : i32 to vector<16xi32>
      %add3A_29 = arith.addi %get3A_26, %add3A_28 : vector<16xi32>
      %gather3A = tpu.vector_load_idx %arg6[%add3A_29] : memref<40961xf32, #tpu.memory_space<vmem>>[vector<16xi32>], vector<16xf32>,
      %add3A_30 = arith.addf %broadcast_in_dim3A_17, %gather3A : vector<16xf32>
      %get3A_31 = arith.constant 1 : i32
      %get3A_32 = arith.index_cast %get3A_31 : i32 to index
      %get3A_33 = arith.index_cast %mul3A_16 : i32 to index
      %get3A_34 = tpu.vector_load %arg5[%get3A_32, %get3A_33] {strides = array<i32>} : memref<32x512xi32, #tpu.memory_space<vmem>>, vector<16xi32>,
      %add3A_35 = arith.constant 1 : i32
      %add3A_36 = vector.broadcast %add3A_35 : i32 to vector<16xi32>
      %add3A_37 = arith.addi %get3A_34, %add3A_36 : vector<16xi32>
      %gather3A_38 = tpu.vector_load_idx %arg6[%add3A_37] : memref<40961xf32, #tpu.memory_space<vmem>>[vector<16xi32>], vector<16xf32>,
      %add3A_39 = arith.addf %broadcast_in_dim3A_19, %gather3A_38 : vector<16xf32>
      %get3A_40 = arith.constant 2 : i32
      %get3A_41 = arith.index_cast %get3A_40 : i32 to index
      %get3A_42 = arith.index_cast %mul3A_16 : i32 to index
      %get3A_43 = tpu.vector_load %arg5[%get3A_41, %get3A_42] {strides = array<i32>} : memref<32x512xi32, #tpu.memory_space<vmem>>, vector<16xi32>,
      %add3A_44 = arith.constant 1 : i32
      %add3A_45 = vector.broadcast %add3A_44 : i32 to vector<16xi32>
      %add3A_46 = arith.addi %get3A_43, %add3A_45 : vector<16xi32>
      %gather3A_47 = tpu.vector_load_idx %arg6[%add3A_46] : memref<40961xf32, #tpu.memory_space<vmem>>[vector<16xi32>], vector<16xf32>,
      %add3A_48 = arith.addf %broadcast_in_dim3A_21, %gather3A_47 : vector<16xf32>
      %get3A_49 = arith.constant 3 : i32
      %get3A_50 = arith.index_cast %get3A_49 : i32 to index
      %get3A_51 = arith.index_cast %mul3A_16 : i32 to index
      %get3A_52 = tpu.vector_load %arg5[%get3A_50, %get3A_51] {strides = array<i32>} : memref<32x512xi32, #tpu.memory_space<vmem>>, vector<16xi32>,
      %add3A_53 = arith.constant 1 : i32
      %add3A_54 = vector.broadcast %add3A_53 : i32 to vector<16xi32>
      %add3A_55 = arith.addi %get3A_52, %add3A_54 : vector<16xi32>
      %gather3A_56 = tpu.vector_load_idx %arg6[%add3A_55] : memref<40961xf32, #tpu.memory_space<vmem>>[vector<16xi32>], vector<16xf32>,
      %add3A_57 = arith.addf %broadcast_in_dim3A_23, %gather3A_56 : vector<16xf32>
      %get3A_58 = arith.constant 4 : i32
      %get3A_59 = arith.index_cast %get3A_58 : i32 to index
      %get3A_60 = arith.index_cast %mul3A_16 : i32 to index
      %get3A_61 = tpu.vector_load %arg5[%get3A_59, %get3A_60] {strides = array<i32>} : memref<32x512xi32, #tpu.memory_space<vmem>>, vector<16xi32>,
      %add3A_62 = arith.constant 1 : i32
      %add3A_63 = vector.broadcast %add3A_62 : i32 to vector<16xi32>
      %add3A_64 = arith.addi %get3A_61, %add3A_63 : vector<16xi32>
      %gather3A_65 = tpu.vector_load_idx %arg6[%add3A_64] : memref<40961xf32, #tpu.memory_space<vmem>>[vector<16xi32>], vector<16xf32>,
      %add3A_66 = arith.addf %add3A_30, %gather3A_65 : vector<16xf32>
      %get3A_67 = arith.constant 5 : i32
      %get3A_68 = arith.index_cast %get3A_67 : i32 to index
      %get3A_69 = arith.index_cast %mul3A_16 : i32 to index
      %get3A_70 = tpu.vector_load %arg5[%get3A_68, %get3A_69] {strides = array<i32>} : memref<32x512xi32, #tpu.memory_space<vmem>>, vector<16xi32>,
      %add3A_71 = arith.constant 1 : i32
      %add3A_72 = vector.broadcast %add3A_71 : i32 to vector<16xi32>
      %add3A_73 = arith.addi %get3A_70, %add3A_72 : vector<16xi32>
      %gather3A_74 = tpu.vector_load_idx %arg6[%add3A_73] : memref<40961xf32, #tpu.memory_space<vmem>>[vector<16xi32>], vector<16xf32>,
      %add3A_75 = arith.addf %add3A_39, %gather3A_74 : vector<16xf32>
      %get3A_76 = arith.constant 6 : i32
      %get3A_77 = arith.index_cast %get3A_76 : i32 to index
      %get3A_78 = arith.index_cast %mul3A_16 : i32 to index
      %get3A_79 = tpu.vector_load %arg5[%get3A_77, %get3A_78] {strides = array<i32>} : memref<32x512xi32, #tpu.memory_space<vmem>>, vector<16xi32>,
      %add3A_80 = arith.constant 1 : i32
      %add3A_81 = vector.broadcast %add3A_80 : i32 to vector<16xi32>
      %add3A_82 = arith.addi %get3A_79, %add3A_81 : vector<16xi32>
      %gather3A_83 = tpu.vector_load_idx %arg6[%add3A_82] : memref<40961xf32, #tpu.memory_space<vmem>>[vector<16xi32>], vector<16xf32>,
      %add3A_84 = arith.addf %add3A_48, %gather3A_83 : vector<16xf32>
      %get3A_85 = arith.constant 7 : i32
      %get3A_86 = arith.index_cast %get3A_85 : i32 to index
      %get3A_87 = arith.index_cast %mul3A_16 : i32 to index
      %get3A_88 = tpu.vector_load %arg5[%get3A_86, %get3A_87] {strides = array<i32>} : memref<32x512xi32, #tpu.memory_space<vmem>>, vector<16xi32>,
      %add3A_89 = arith.constant 1 : i32
      %add3A_90 = vector.broadcast %add3A_89 : i32 to vector<16xi32>
      %add3A_91 = arith.addi %get3A_88, %add3A_90 : vector<16xi32>
      %gather3A_92 = tpu.vector_load_idx %arg6[%add3A_91] : memref<40961xf32, #tpu.memory_space<vmem>>[vector<16xi32>], vector<16xf32>,
      %add3A_93 = arith.addf %add3A_57, %gather3A_92 : vector<16xf32>
      %get3A_94 = arith.constant 8 : i32
      %get3A_95 = arith.index_cast %get3A_94 : i32 to index
      %get3A_96 = arith.index_cast %mul3A_16 : i32 to index
      %get3A_97 = tpu.vector_load %arg5[%get3A_95, %get3A_96] {strides = array<i32>} : memref<32x512xi32, #tpu.memory_space<vmem>>, vector<16xi32>,
      %add3A_98 = arith.constant 1 : i32
      %add3A_99 = vector.broadcast %add3A_98 : i32 to vector<16xi32>
      %add3A_100 = arith.addi %get3A_97, %add3A_99 : vector<16xi32>
      %gather3A_101 = tpu.vector_load_idx %arg6[%add3A_100] : memref<40961xf32, #tpu.memory_space<vmem>>[vector<16xi32>], vector<16xf32>,
      %add3A_102 = arith.addf %add3A_66, %gather3A_101 : vector<16xf32>
      %get3A_103 = arith.constant 9 : i32
      %get3A_104 = arith.index_cast %get3A_103 : i32 to index
      %get3A_105 = arith.index_cast %mul3A_16 : i32 to index
      %get3A_106 = tpu.vector_load %arg5[%get3A_104, %get3A_105] {strides = array<i32>} : memref<32x512xi32, #tpu.memory_space<vmem>>, vector<16xi32>,
      %add3A_107 = arith.constant 1 : i32
      %add3A_108 = vector.broadcast %add3A_107 : i32 to vector<16xi32>
      %add3A_109 = arith.addi %get3A_106, %add3A_108 : vector<16xi32>
      %gather3A_110 = tpu.vector_load_idx %arg6[%add3A_109] : memref<40961xf32, #tpu.memory_space<vmem>>[vector<16xi32>], vector<16xf32>,
      %add3A_111 = arith.addf %add3A_75, %gather3A_110 : vector<16xf32>
      %get3A_112 = arith.constant 10 : i32
      %get3A_113 = arith.index_cast %get3A_112 : i32 to index
      %get3A_114 = arith.index_cast %mul3A_16 : i32 to index
      %get3A_115 = tpu.vector_load %arg5[%get3A_113, %get3A_114] {strides = array<i32>} : memref<32x512xi32, #tpu.memory_space<vmem>>, vector<16xi32>,
      %add3A_116 = arith.constant 1 : i32
      %add3A_117 = vector.broadcast %add3A_116 : i32 to vector<16xi32>
      %add3A_118 = arith.addi %get3A_115, %add3A_117 : vector<16xi32>
      %gather3A_119 = tpu.vector_load_idx %arg6[%add3A_118] : memref<40961xf32, #tpu.memory_space<vmem>>[vector<16xi32>], vector<16xf32>,
      %add3A_120 = arith.addf %add3A_84, %gather3A_119 : vector<16xf32>
      %get3A_121 = arith.constant 11 : i32
      %get3A_122 = arith.index_cast %get3A_121 : i32 to index
      %get3A_123 = arith.index_cast %mul3A_16 : i32 to index
      %get3A_124 = tpu.vector_load %arg5[%get3A_122, %get3A_123] {strides = array<i32>} : memref<32x512xi32, #tpu.memory_space<vmem>>, vector<16xi32>,
      %add3A_125 = arith.constant 1 : i32
      %add3A_126 = vector.broadcast %add3A_125 : i32 to vector<16xi32>
      %add3A_127 = arith.addi %get3A_124, %add3A_126 : vector<16xi32>
      %gather3A_128 = tpu.vector_load_idx %arg6[%add3A_127] : memref<40961xf32, #tpu.memory_space<vmem>>[vector<16xi32>], vector<16xf32>,
      %add3A_129 = arith.addf %add3A_93, %gather3A_128 : vector<16xf32>
      %get3A_130 = arith.constant 12 : i32
      %get3A_131 = arith.index_cast %get3A_130 : i32 to index
      %get3A_132 = arith.index_cast %mul3A_16 : i32 to index
      %get3A_133 = tpu.vector_load %arg5[%get3A_131, %get3A_132] {strides = array<i32>} : memref<32x512xi32, #tpu.memory_space<vmem>>, vector<16xi32>,
      %add3A_134 = arith.constant 1 : i32
      %add3A_135 = vector.broadcast %add3A_134 : i32 to vector<16xi32>
      %add3A_136 = arith.addi %get3A_133, %add3A_135 : vector<16xi32>
      %gather3A_137 = tpu.vector_load_idx %arg6[%add3A_136] : memref<40961xf32, #tpu.memory_space<vmem>>[vector<16xi32>], vector<16xf32>,
      %add3A_138 = arith.addf %add3A_102, %gather3A_137 : vector<16xf32>
      %get3A_139 = arith.constant 13 : i32
      %get3A_140 = arith.index_cast %get3A_139 : i32 to index
      %get3A_141 = arith.index_cast %mul3A_16 : i32 to index
      %get3A_142 = tpu.vector_load %arg5[%get3A_140, %get3A_141] {strides = array<i32>} : memref<32x512xi32, #tpu.memory_space<vmem>>, vector<16xi32>,
      %add3A_143 = arith.constant 1 : i32
      %add3A_144 = vector.broadcast %add3A_143 : i32 to vector<16xi32>
      %add3A_145 = arith.addi %get3A_142, %add3A_144 : vector<16xi32>
      %gather3A_146 = tpu.vector_load_idx %arg6[%add3A_145] : memref<40961xf32, #tpu.memory_space<vmem>>[vector<16xi32>], vector<16xf32>,
      %add3A_147 = arith.addf %add3A_111, %gather3A_146 : vector<16xf32>
      %get3A_148 = arith.constant 14 : i32
      %get3A_149 = arith.index_cast %get3A_148 : i32 to index
      %get3A_150 = arith.index_cast %mul3A_16 : i32 to index
      %get3A_151 = tpu.vector_load %arg5[%get3A_149, %get3A_150] {strides = array<i32>} : memref<32x512xi32, #tpu.memory_space<vmem>>, vector<16xi32>,
      %add3A_152 = arith.constant 1 : i32
      %add3A_153 = vector.broadcast %add3A_152 : i32 to vector<16xi32>
      %add3A_154 = arith.addi %get3A_151, %add3A_153 : vector<16xi32>
      %gather3A_155 = tpu.vector_load_idx %arg6[%add3A_154] : memref<40961xf32, #tpu.memory_space<vmem>>[vector<16xi32>], vector<16xf32>,
      %add3A_156 = arith.addf %add3A_120, %gather3A_155 : vector<16xf32>
      %get3A_157 = arith.constant 15 : i32
      %get3A_158 = arith.index_cast %get3A_157 : i32 to index
      %get3A_159 = arith.index_cast %mul3A_16 : i32 to index
      %get3A_160 = tpu.vector_load %arg5[%get3A_158, %get3A_159] {strides = array<i32>} : memref<32x512xi32, #tpu.memory_space<vmem>>, vector<16xi32>,
      %add3A_161 = arith.constant 1 : i32
      %add3A_162 = vector.broadcast %add3A_161 : i32 to vector<16xi32>
      %add3A_163 = arith.addi %get3A_160, %add3A_162 : vector<16xi32>
      %gather3A_164 = tpu.vector_load_idx %arg6[%add3A_163] : memref<40961xf32, #tpu.memory_space<vmem>>[vector<16xi32>], vector<16xf32>,
      %add3A_165 = arith.addf %add3A_129, %gather3A_164 : vector<16xf32>
      %get3A_166 = arith.constant 16 : i32
      %get3A_167 = arith.index_cast %get3A_166 : i32 to index
      %get3A_168 = arith.index_cast %mul3A_16 : i32 to index
      %get3A_169 = tpu.vector_load %arg5[%get3A_167, %get3A_168] {strides = array<i32>} : memref<32x512xi32, #tpu.memory_space<vmem>>, vector<16xi32>,
      %add3A_170 = arith.constant 1 : i32
      %add3A_171 = vector.broadcast %add3A_170 : i32 to vector<16xi32>
      %add3A_172 = arith.addi %get3A_169, %add3A_171 : vector<16xi32>
      %gather3A_173 = tpu.vector_load_idx %arg6[%add3A_172] : memref<40961xf32, #tpu.memory_space<vmem>>[vector<16xi32>], vector<16xf32>,
      %add3A_174 = arith.addf %add3A_138, %gather3A_173 : vector<16xf32>
      %get3A_175 = arith.constant 17 : i32
      %get3A_176 = arith.index_cast %get3A_175 : i32 to index
      %get3A_177 = arith.index_cast %mul3A_16 : i32 to index
      %get3A_178 = tpu.vector_load %arg5[%get3A_176, %get3A_177] {strides = array<i32>} : memref<32x512xi32, #tpu.memory_space<vmem>>, vector<16xi32>,
      %add3A_179 = arith.constant 1 : i32
      %add3A_180 = vector.broadcast %add3A_179 : i32 to vector<16xi32>
      %add3A_181 = arith.addi %get3A_178, %add3A_180 : vector<16xi32>
      %gather3A_182 = tpu.vector_load_idx %arg6[%add3A_181] : memref<40961xf32, #tpu.memory_space<vmem>>[vector<16xi32>], vector<16xf32>,
      %add3A_183 = arith.addf %add3A_147, %gather3A_182 : vector<16xf32>
      %get3A_184 = arith.constant 18 : i32
      %get3A_185 = arith.index_cast %get3A_184 : i32 to index
      %get3A_186 = arith.index_cast %mul3A_16 : i32 to index
      %get3A_187 = tpu.vector_load %arg5[%get3A_185, %get3A_186] {strides = array<i32>} : memref<32x512xi32, #tpu.memory_space<vmem>>, vector<16xi32>,
      %add3A_188 = arith.constant 1 : i32
      %add3A_189 = vector.broadcast %add3A_188 : i32 to vector<16xi32>
      %add3A_190 = arith.addi %get3A_187, %add3A_189 : vector<16xi32>
      %gather3A_191 = tpu.vector_load_idx %arg6[%add3A_190] : memref<40961xf32, #tpu.memory_space<vmem>>[vector<16xi32>], vector<16xf32>,
      %add3A_192 = arith.addf %add3A_156, %gather3A_191 : vector<16xf32>
      %get3A_193 = arith.constant 19 : i32
      %get3A_194 = arith.index_cast %get3A_193 : i32 to index
      %get3A_195 = arith.index_cast %mul3A_16 : i32 to index
      %get3A_196 = tpu.vector_load %arg5[%get3A_194, %get3A_195] {strides = array<i32>} : memref<32x512xi32, #tpu.memory_space<vmem>>, vector<16xi32>,
      %add3A_197 = arith.constant 1 : i32
      %add3A_198 = vector.broadcast %add3A_197 : i32 to vector<16xi32>
      %add3A_199 = arith.addi %get3A_196, %add3A_198 : vector<16xi32>
      %gather3A_200 = tpu.vector_load_idx %arg6[%add3A_199] : memref<40961xf32, #tpu.memory_space<vmem>>[vector<16xi32>], vector<16xf32>,
      %add3A_201 = arith.addf %add3A_165, %gather3A_200 : vector<16xf32>
      %get3A_202 = arith.constant 20 : i32
      %get3A_203 = arith.index_cast %get3A_202 : i32 to index
      %get3A_204 = arith.index_cast %mul3A_16 : i32 to index
      %get3A_205 = tpu.vector_load %arg5[%get3A_203, %get3A_204] {strides = array<i32>} : memref<32x512xi32, #tpu.memory_space<vmem>>, vector<16xi32>,
      %add3A_206 = arith.constant 1 : i32
      %add3A_207 = vector.broadcast %add3A_206 : i32 to vector<16xi32>
      %add3A_208 = arith.addi %get3A_205, %add3A_207 : vector<16xi32>
      %gather3A_209 = tpu.vector_load_idx %arg6[%add3A_208] : memref<40961xf32, #tpu.memory_space<vmem>>[vector<16xi32>], vector<16xf32>,
      %add3A_210 = arith.addf %add3A_174, %gather3A_209 : vector<16xf32>
      %get3A_211 = arith.constant 21 : i32
      %get3A_212 = arith.index_cast %get3A_211 : i32 to index
      %get3A_213 = arith.index_cast %mul3A_16 : i32 to index
      %get3A_214 = tpu.vector_load %arg5[%get3A_212, %get3A_213] {strides = array<i32>} : memref<32x512xi32, #tpu.memory_space<vmem>>, vector<16xi32>,
      %add3A_215 = arith.constant 1 : i32
      %add3A_216 = vector.broadcast %add3A_215 : i32 to vector<16xi32>
      %add3A_217 = arith.addi %get3A_214, %add3A_216 : vector<16xi32>
      %gather3A_218 = tpu.vector_load_idx %arg6[%add3A_217] : memref<40961xf32, #tpu.memory_space<vmem>>[vector<16xi32>], vector<16xf32>,
      %add3A_219 = arith.addf %add3A_183, %gather3A_218 : vector<16xf32>
      %get3A_220 = arith.constant 22 : i32
      %get3A_221 = arith.index_cast %get3A_220 : i32 to index
      %get3A_222 = arith.index_cast %mul3A_16 : i32 to index
      %get3A_223 = tpu.vector_load %arg5[%get3A_221, %get3A_222] {strides = array<i32>} : memref<32x512xi32, #tpu.memory_space<vmem>>, vector<16xi32>,
      %add3A_224 = arith.constant 1 : i32
      %add3A_225 = vector.broadcast %add3A_224 : i32 to vector<16xi32>
      %add3A_226 = arith.addi %get3A_223, %add3A_225 : vector<16xi32>
      %gather3A_227 = tpu.vector_load_idx %arg6[%add3A_226] : memref<40961xf32, #tpu.memory_space<vmem>>[vector<16xi32>], vector<16xf32>,
      %add3A_228 = arith.addf %add3A_192, %gather3A_227 : vector<16xf32>
      %get3A_229 = arith.constant 23 : i32
      %get3A_230 = arith.index_cast %get3A_229 : i32 to index
      %get3A_231 = arith.index_cast %mul3A_16 : i32 to index
      %get3A_232 = tpu.vector_load %arg5[%get3A_230, %get3A_231] {strides = array<i32>} : memref<32x512xi32, #tpu.memory_space<vmem>>, vector<16xi32>,
      %add3A_233 = arith.constant 1 : i32
      %add3A_234 = vector.broadcast %add3A_233 : i32 to vector<16xi32>
      %add3A_235 = arith.addi %get3A_232, %add3A_234 : vector<16xi32>
      %gather3A_236 = tpu.vector_load_idx %arg6[%add3A_235] : memref<40961xf32, #tpu.memory_space<vmem>>[vector<16xi32>], vector<16xf32>,
      %add3A_237 = arith.addf %add3A_201, %gather3A_236 : vector<16xf32>
      %get3A_238 = arith.constant 24 : i32
      %get3A_239 = arith.index_cast %get3A_238 : i32 to index
      %get3A_240 = arith.index_cast %mul3A_16 : i32 to index
      %get3A_241 = tpu.vector_load %arg5[%get3A_239, %get3A_240] {strides = array<i32>} : memref<32x512xi32, #tpu.memory_space<vmem>>, vector<16xi32>,
      %add3A_242 = arith.constant 1 : i32
      %add3A_243 = vector.broadcast %add3A_242 : i32 to vector<16xi32>
      %add3A_244 = arith.addi %get3A_241, %add3A_243 : vector<16xi32>
      %gather3A_245 = tpu.vector_load_idx %arg6[%add3A_244] : memref<40961xf32, #tpu.memory_space<vmem>>[vector<16xi32>], vector<16xf32>,
      %add3A_246 = arith.addf %add3A_210, %gather3A_245 : vector<16xf32>
      %get3A_247 = arith.constant 25 : i32
      %get3A_248 = arith.index_cast %get3A_247 : i32 to index
      %get3A_249 = arith.index_cast %mul3A_16 : i32 to index
      %get3A_250 = tpu.vector_load %arg5[%get3A_248, %get3A_249] {strides = array<i32>} : memref<32x512xi32, #tpu.memory_space<vmem>>, vector<16xi32>,
      %add3A_251 = arith.constant 1 : i32
      %add3A_252 = vector.broadcast %add3A_251 : i32 to vector<16xi32>
      %add3A_253 = arith.addi %get3A_250, %add3A_252 : vector<16xi32>
      %gather3A_254 = tpu.vector_load_idx %arg6[%add3A_253] : memref<40961xf32, #tpu.memory_space<vmem>>[vector<16xi32>], vector<16xf32>,
      %add3A_255 = arith.addf %add3A_219, %gather3A_254 : vector<16xf32>
      %get3A_256 = arith.constant 26 : i32
      %get3A_257 = arith.index_cast %get3A_256 : i32 to index
      %get3A_258 = arith.index_cast %mul3A_16 : i32 to index
      %get3A_259 = tpu.vector_load %arg5[%get3A_257, %get3A_258] {strides = array<i32>} : memref<32x512xi32, #tpu.memory_space<vmem>>, vector<16xi32>,
      %add3A_260 = arith.constant 1 : i32
      %add3A_261 = vector.broadcast %add3A_260 : i32 to vector<16xi32>
      %add3A_262 = arith.addi %get3A_259, %add3A_261 : vector<16xi32>
      %gather3A_263 = tpu.vector_load_idx %arg6[%add3A_262] : memref<40961xf32, #tpu.memory_space<vmem>>[vector<16xi32>], vector<16xf32>,
      %add3A_264 = arith.addf %add3A_228, %gather3A_263 : vector<16xf32>
      %get3A_265 = arith.constant 27 : i32
      %get3A_266 = arith.index_cast %get3A_265 : i32 to index
      %get3A_267 = arith.index_cast %mul3A_16 : i32 to index
      %get3A_268 = tpu.vector_load %arg5[%get3A_266, %get3A_267] {strides = array<i32>} : memref<32x512xi32, #tpu.memory_space<vmem>>, vector<16xi32>,
      %add3A_269 = arith.constant 1 : i32
      %add3A_270 = vector.broadcast %add3A_269 : i32 to vector<16xi32>
      %add3A_271 = arith.addi %get3A_268, %add3A_270 : vector<16xi32>
      %gather3A_272 = tpu.vector_load_idx %arg6[%add3A_271] : memref<40961xf32, #tpu.memory_space<vmem>>[vector<16xi32>], vector<16xf32>,
      %add3A_273 = arith.addf %add3A_237, %gather3A_272 : vector<16xf32>
      %get3A_274 = arith.constant 28 : i32
      %get3A_275 = arith.index_cast %get3A_274 : i32 to index
      %get3A_276 = arith.index_cast %mul3A_16 : i32 to index
      %get3A_277 = tpu.vector_load %arg5[%get3A_275, %get3A_276] {strides = array<i32>} : memref<32x512xi32, #tpu.memory_space<vmem>>, vector<16xi32>,
      %add3A_278 = arith.constant 1 : i32
      %add3A_279 = vector.broadcast %add3A_278 : i32 to vector<16xi32>
      %add3A_280 = arith.addi %get3A_277, %add3A_279 : vector<16xi32>
      %gather3A_281 = tpu.vector_load_idx %arg6[%add3A_280] : memref<40961xf32, #tpu.memory_space<vmem>>[vector<16xi32>], vector<16xf32>,
      %add3A_282 = arith.addf %add3A_246, %gather3A_281 : vector<16xf32>
      %get3A_283 = arith.constant 29 : i32
      %get3A_284 = arith.index_cast %get3A_283 : i32 to index
      %get3A_285 = arith.index_cast %mul3A_16 : i32 to index
      %get3A_286 = tpu.vector_load %arg5[%get3A_284, %get3A_285] {strides = array<i32>} : memref<32x512xi32, #tpu.memory_space<vmem>>, vector<16xi32>,
      %add3A_287 = arith.constant 1 : i32
      %add3A_288 = vector.broadcast %add3A_287 : i32 to vector<16xi32>
      %add3A_289 = arith.addi %get3A_286, %add3A_288 : vector<16xi32>
      %gather3A_290 = tpu.vector_load_idx %arg6[%add3A_289] : memref<40961xf32, #tpu.memory_space<vmem>>[vector<16xi32>], vector<16xf32>,
      %add3A_291 = arith.addf %add3A_255, %gather3A_290 : vector<16xf32>
      %get3A_292 = arith.constant 30 : i32
      %get3A_293 = arith.index_cast %get3A_292 : i32 to index
      %get3A_294 = arith.index_cast %mul3A_16 : i32 to index
      %get3A_295 = tpu.vector_load %arg5[%get3A_293, %get3A_294] {strides = array<i32>} : memref<32x512xi32, #tpu.memory_space<vmem>>, vector<16xi32>,
      %add3A_296 = arith.constant 1 : i32
      %add3A_297 = vector.broadcast %add3A_296 : i32 to vector<16xi32>
      %add3A_298 = arith.addi %get3A_295, %add3A_297 : vector<16xi32>
      %gather3A_299 = tpu.vector_load_idx %arg6[%add3A_298] : memref<40961xf32, #tpu.memory_space<vmem>>[vector<16xi32>], vector<16xf32>,
      %add3A_300 = arith.addf %add3A_264, %gather3A_299 : vector<16xf32>
      %get3A_301 = arith.constant 31 : i32
      %get3A_302 = arith.index_cast %get3A_301 : i32 to index
      %get3A_303 = arith.index_cast %mul3A_16 : i32 to index
      %get3A_304 = tpu.vector_load %arg5[%get3A_302, %get3A_303] {strides = array<i32>} : memref<32x512xi32, #tpu.memory_space<vmem>>, vector<16xi32>,
      %add3A_305 = arith.constant 1 : i32
      %add3A_306 = vector.broadcast %add3A_305 : i32 to vector<16xi32>
      %add3A_307 = arith.addi %get3A_304, %add3A_306 : vector<16xi32>
      %gather3A_308 = tpu.vector_load_idx %arg6[%add3A_307] : memref<40961xf32, #tpu.memory_space<vmem>>[vector<16xi32>], vector<16xf32>,
      %add3A_309 = arith.addf %add3A_273, %gather3A_308 : vector<16xf32>
      %add3A_310 = arith.addf %add3A_282, %add3A_291 : vector<16xf32>
      %add3A_311 = arith.addf %add3A_300, %add3A_309 : vector<16xf32>
      %add3A_312 = arith.addf %add3A_310, %add3A_311 : vector<16xf32>
      %swap3A = arith.index_cast %mul3A_16 : i32 to index
      %swap3A_313 = tpu.vector_load %arg7[%swap3A] {strides = array<i32>} : memref<512xf32, #tpu.memory_space<vmem>>, vector<16xf32>,
      tpu.vector_store %arg7[%swap3A], %add3A_312 {strides = array<i32>} : memref<512xf32, #tpu.memory_space<vmem>>, vector<16xf32>,
    }
    %scan3A_13 = arith.constant 32 : i32
    "tpu.region"() ({
      %run_scoped3A = tpu.sem_alloc : memref<!tpu.dma_semaphore, #tpu.memory_space<semaphore_mem>>
      %dma_start3A_14 = tpu.memref_slice %arg4[%mul3A_2] : memref<16384xf32, #tpu.memory_space<hbm>> -> memref<512xf32, #tpu.memory_space<hbm>>
      %dma_start3A_15 = tpu.memref_slice %arg4[%mul3A_2] : memref<16384xf32, #tpu.memory_space<hbm>> -> memref<512xf32, #tpu.memory_space<hbm>>
      tpu.enqueue_dma source(%arg7 : memref<512xf32, #tpu.memory_space<vmem>>) target(%dma_start3A_15 : memref<512xf32, #tpu.memory_space<hbm>>) target_semaphore(%run_scoped3A : memref<!tpu.dma_semaphore, #tpu.memory_space<semaphore_mem>>)
      %dma_wait3A_16 = tpu.memref_slice %arg4[%mul3A_2] : memref<16384xf32, #tpu.memory_space<hbm>> -> memref<512xf32, #tpu.memory_space<hbm>>
      %dma_wait3A_17 = tpu.memref_slice %arg4[%mul3A_2] : memref<16384xf32, #tpu.memory_space<hbm>> -> memref<512xf32, #tpu.memory_space<hbm>>
      tpu.wait_dma2 semaphore(%run_scoped3A : memref<!tpu.dma_semaphore, #tpu.memory_space<semaphore_mem>>) src(%arg7 : memref<512xf32, #tpu.memory_space<vmem>>) dst(%dma_wait3A_17 : memref<512xf32, #tpu.memory_space<hbm>>)
      tpu.yield
    }) : () -> ()
    return
  }
}

</mosaic_0001>

<sc_bundles>
// kernel: kernel.3.cloned.1.call-start
scs
__scs_entry_jumppad:
0x0: {  	(pc) =	sbr.rel $0x88, $3  }
0x1: {  	(tag) =	ssettag $0x0;
	lr =	simm.s32 $0x1  }
0x2: {  	[smem:$0x3F9F] =	sst lr;
	_ =	strace $0xD0000000  }
0x3: {  	_ = 	snop  }
0x4: {  	_ = 	snop  }
0x5: {  	_ = 	snop  }
0x6: {  	_ = 	snop  }
0x7: {  	_ = 	snop  }
__scs_overlays_trampoline_lowered:
0x8: {  	[smem:$0x3FAE] =	sst s0  }
0x9: {  	[smem:$0x3FAF] =	sst s1  }
0xa: {  	[smem:$0x3FB0] =	sst s2  }
0xb: {  	[smem:$0x3FB1] =	sst s3  }
0xc: {  	[smem:$0x3FB2] =	sst s4  }
0xd: {  	[smem:$0x3FB3] =	sst s5  }
0xe: {  	[smem:$0x3FB4] =	sst s6  }
0xf: {  	[smem:$0x3FB5] =	sst s7  }
0x10: {  	[smem:$0x3FB6] =	sst s8  }
0x11: {  	[smem:$0x3FB7] =	sst s9;
	s0 =	simm.s32 @!p0 $0x0  }
0x12: {  	s1 =	sld [smem:$0x3F9D];
	s0 =	simm.s32 @p0 $0x1  }
0x13: {  	[smem:$0x3FB8] =	sst s0;
	s0 =	simm.s32 @!p1 $0x0  }
0x14: {  	s2 =	sld [smem:$0x3F9C];
	s0 =	simm.s32 @p1 $0x1  }
0x15: {  	[smem:$0x3FB9] =	sst s0;
	s0 =	simm.s32 @!p2 $0x0  }
0x16: {  	s3 =	sld [smem:$0x3FDB];
	s0 =	simm.s32 @p2 $0x1  }
0x17: {  	s4 =	simm.s32 $0x1BF5;
	[smem:$0x3FBB] =	sst s0  }
0x18: {  	s0 =	sld [smem:$0x3F9E];
	_ =	swait.ge [sflag:s4], $0x0  }
0x19: {  	s7 =	sld [smem:$0x3F9F]  }
0x1a: {  	s8 =	sadd.s32 $0xFFFFE003, lr  }
0x1b: {  	s9 =	sadd.s32 $0xFFFFFEF7, lr;
	s5 =	simm.s32 $0xFFFFFFFF;
	p2 =	slt.u32 s8, $0xFFFFF086  }
0x1c: {  	p1 =	slt.u32 s9, $0xF7A;
	s5 =	simm.s32 @!p2 $0x0  }
0x1d: {  	s5 =	simm.s32 @p1 $0x1;
	p0 =	seq.s32 s7, s2  }
0x1e: {  	s7 =	smul.u32 @!p0 $0xF7A, s2;
	p2 =	seq.s32 @!p0 s5, $0x0  }
0x1f: {  	s9 =	smul.u32 $0xF7A, s1;
	s8 =	simm.s32 @!p0 $0x1BF5;
	p2 =	por !p2, p0  }
0x20: {  	[sflag:s8] =	ssyncset.s32 @!p0 $0xFFFFF086;
	s6 =	sadd.s32 @!p0 s3, s7;
	s7 =	simm.s32 @!p0 $0x108  }
0x21: {  	s3 =	sadd.s32 s3, s9;
	s6 =	sadd.s32 @!p0 $0x88, s6;
	s7 =	simm.s32 @p2 $0x1082  }
0x22: {  	[simem:s7], [sflag:s8] =	dma.local @!p0 [hbm:s6], $0xF7A  }
0x23: {  	s9 =	sor.u32 $0xD0000000, s2;
	s6 =	simm.s32 $0x108;
	_ =	swait.ge @!p0 [sflag:s8], $0x0  }
0x24: {  	s3 =	sadd.s32 $0x88, s3;
	s6 =	simm.s32 @!p1 $0x1082;
	[sflag:s4] =	ssyncset.s32 $0xFFFFF086  }
0x25: {  	[simem:s6], [sflag:s4] =	dma.local [hbm:s3], $0xF7A  }
0x26: {  	[smem:$0x3F9F] =	sst s1;
	(tag) =	ssettag s2;
	_ =	strace s9  }
0x27: {  	s1 =	sld [smem:$0x3FAF]  }
0x28: {  	s2 =	sld [smem:$0x3FB0]  }
0x29: {  	s4 =	sld [smem:$0x3FB2]  }
0x2a: {  	p0 =	seq.s32 s5, $0x0;
	s5 =	sld [smem:$0x3FB3]  }
0x2b: {  	s6 =	sld [smem:$0x3FB4]  }
0x2c: {  	s7 =	sld [smem:$0x3FB5]  }
0x2d: {  	s3 =	simm.s32 $0x108;
	s8 =	sld [smem:$0x3FB6]  }
0x2e: {  	s3 =	simm.s32 @!p0 $0x1082;
	s9 =	sld [smem:$0x3FB7]  }
0x2f: {  	lr =	sadd.s32 s0, s3;
	s0 =	sld [smem:$0x3FAE]  }
0x30: {  	s3 =	sld [smem:$0x3FB1]  }
0x31: {  	[smem:$0x3FBA] =	sst s10  }
0x32: {  	s10 =	sld [smem:$0x3FB8];
	_ =	sdelay $0x3  }
0x33: {  	p0 =	seq.s32 s10, $0x1;
	s10 =	sld [smem:$0x3FBA];
	_ =	sdelay $0x3  }
0x34: {  	[smem:$0x3FBA] =	sst s10  }
0x35: {  	s10 =	sld [smem:$0x3FB9];
	_ =	sdelay $0x3  }
0x36: {  	p1 =	seq.s32 s10, $0x1;
	s10 =	sld [smem:$0x3FBA];
	_ =	sdelay $0x3  }
0x37: {  	[smem:$0x3FBA] =	sst s10  }
0x38: {  	s10 =	sld [smem:$0x3FBB]  }
0x39: {  	_ = 	snop;
	(pc) =	sbr.ind lr, $3  }
0x3a: {  	_ = 	snop  }
0x3b: {  	_ = 	snop  }
0x3c: {  	p2 =	seq.s32 s10, $0x1;
	s10 =	sld [smem:$0x3FBA]  }
0x3d: {  	_ =	shalt  }
0x3e: {  	_ =	shalt  }
0x3f: {  	_ =	shalt  }
0x40: {  	_ =	shalt  }
0x41: {  	_ =	shalt  }
0x42: {  	_ =	shalt  }
0x43: {  	_ =	shalt  }
0x44: {  	_ =	shalt  }
0x45: {  	_ =	shalt  }
0x46: {  	_ =	shalt  }
0x47: {  	_ =	shalt  }
0x48: {  	_ =	shalt  }
0x49: {  	_ =	shalt  }
0x4a: {  	_ =	shalt  }
0x4b: {  	_ =	shalt  }
0x4c: {  	_ =	shalt  }
0x4d: {  	_ =	shalt  }
0x4e: {  	_ =	shalt  }
0x4f: {  	_ =	shalt  }
0x50: {  	_ =	shalt  }
0x51: {  	_ =	shalt  }
0x52: {  	_ =	shalt  }
0x53: {  	_ =	shalt  }
0x54: {  	_ =	shalt  }
0x55: {  	_ =	shalt  }
0x56: {  	_ =	shalt  }
0x57: {  	_ =	shalt  }
0x58: {  	_ =	shalt  }
0x59: {  	_ =	shalt  }
0x5a: {  	_ =	shalt  }
0x5b: {  	_ =	shalt  }
0x5c: {  	_ =	shalt  }
0x5d: {  	_ =	shalt  }
0x5e: {  	_ =	shalt  }
0x5f: {  	_ =	shalt  }
0x60: {  	_ =	shalt  }
0x61: {  	_ =	shalt  }
0x62: {  	_ =	shalt  }
0x63: {  	_ =	shalt  }
0x64: {  	_ =	shalt  }
0x65: {  	_ =	shalt  }
0x66: {  	_ =	shalt  }
0x67: {  	_ =	shalt  }
0x68: {  	_ =	shalt  }
0x69: {  	_ =	shalt  }
0x6a: {  	_ =	shalt  }
0x6b: {  	_ =	shalt  }
0x6c: {  	_ =	shalt  }
0x6d: {  	_ =	shalt  }
0x6e: {  	_ =	shalt  }
0x6f: {  	_ =	shalt  }
0x70: {  	_ =	shalt  }
0x71: {  	_ =	shalt  }
0x72: {  	_ =	shalt  }
0x73: {  	_ =	shalt  }
0x74: {  	_ =	shalt  }
0x75: {  	_ =	shalt  }
0x76: {  	_ =	shalt  }
0x77: {  	_ =	shalt  }
0x78: {  	_ =	shalt  }
0x79: {  	_ =	shalt  }
0x7a: {  	_ =	shalt  }
0x7b: {  	_ =	shalt  }
0x7c: {  	_ =	shalt  }
0x7d: {  	_ =	shalt  }
0x7e: {  	_ =	shalt  }
0x7f: {  	_ =	shalt  }
0x80: {  	_ =	shalt  }
0x81: {  	_ =	shalt  }
0x82: {  	_ =	shalt  }
0x83: {  	_ =	shalt  }
0x84: {  	_ =	shalt  }
0x85: {  	_ =	shalt  }
0x86: {  	_ =	shalt  }
0x87: {  	_ =	shalt  }
.Lfunc_end0:
.L_simem_size_0:
called_computation_lowered:
.L_overlay_start_0:
0x88: {  	s2 =	sld [smem:$0x3FD9]  }
0x89: {  	s3 =	sld [smem:$0x3FFE];
	_ =	sdelay $0x1  }
0x8a: {  	s1 =	srdreg.scid  }
0x8b: {  	s0 =	sand.u32 $0x1, s1  }
0x8c: {  	s17 =	sshll.u32 s0, $0xA;
	s2 =	sadd.s32 s3, s2  }
0x8d: {  	s2 =	sadd.s32 s2, s17  }
0x8e: {  	[smem:$0x3FC6] =	sst s2  }
0x8f: {  	_ = 	snop  }
0x90: {  	s2 =	sld [smem:$0x3FC9]  }
0x91: {  	s18 =	sld [smem:$0x3FD0];
	(tm) =	ssettm $0x1  }
0x92: {  	s4 =	sld [smem:$0x3FFB];
	_ =	sdelay $0x3  }
0x93: {  	_ =	strace s4  }
0x94: {  	s4 =	sld [smem:$0x3FFC];
	_ =	sdelay $0x3  }
0x95: {  	_ =	strace s4  }
0x96: {  	s4 =	sld [smem:$0x3FFD];
	_ =	sdelay $0x3  }
0x97: {  	_ =	strace s4  }
0x98: {  	_ =	strace $0x8FFFFFFF  }
0x99: {  	s19 =	sld [smem:$0x3FDB];
	_ =	sdelay $0x1  }
0x9a: {  	s5 =	simm.s32 $_scs_section_size  }
0x9b: {  	s6 =	simm.s32 $_size__tile_overlayer_lowered;
	s7 =	simm.s32 $_tile_overlayer_lowered  }
0x9c: {  	s22 =	simm.s32 $0x1BFF;
	s21 =	sshll.u32 s7, $0x1;
	s4 =	sadd.s32 s5, s19  }
0x9d: {  	s8 =	simm.s32 $0x0;
	s20 =	sshll.u32 s6, $0x1;
	s6 =	sadd.s32 s21, s4  }
0x9e: {  	[timem:s8], [sflag:s22] =	dma.local [hbm:s6], s20  }
0x9f: {  	_ =	swait.ge [sflag:s22], s20  }
0xa0: {  	s5 =	ssub.s32 $0x0, s20;
	[sflag:s22] =	ssyncset.done $0x0  }
0xa1: {  	[sflag:s22] =	ssyncadd.s32 s5;
	_ =	sdelay $0x1  }
0xa2: {  	s23 =	simm.s32 $0x1B8B  }
0xa3: {  	_ =	swait.ge [sflag:s23], $0x1  }
0xa4: {  	[sflag:s23] =	ssyncset.done $0x0  }
0xa5: {  	s25 =	simm.s32 $0x1B8E;
	s24 =	sld [smem:$0x3FFE];
	[sflag:s23] =	ssyncadd.s32 $0xFFFFFFFF  }
0xa6: {  	s26 =	simm.s32 $execute0_lowered;
	[smem:$0x3FD2] =	sst s25  }
0xa7: {  	s6 =	sshll.u32 s26, $0x1;
	_ =	strace $0x80000046;
	[dreg:$0x1] =	wrdreg $0xFFFFFFFF  }
0xa8: {  	s28 =	simm.s32 $_size_execute0_lowered;
	s4 =	sadd.s32 s4, s6;
	[dreg:$0x0] =	wrdreg $0x0  }
0xa9: {  	s6 =	sshll.u32 s28, $0x1;
	[dreg:$0x2] =	wrdreg s4  }
0xaa: {  	[dreg:$0x3] =	wrdreg s6  }
0xab: {  	[dreg:$0x4] =	wrdreg $0xC0  }
0xac: {  	_ =	task [dreg:s8], $0x5FFFF  }
0xad: {  	[dreg:$0x1] =	wrdreg $0xFFFFFFFF  }
0xae: {  	[dreg:$0x0] =	wrdreg $0x60  }
0xaf: {  	[dreg:$0x2] =	wrdreg s2  }
0xb0: {  	[dreg:$0x3] =	wrdreg s24  }
0xb1: {  	[dreg:$0x4] =	wrdreg s18  }
0xb2: {  	[dreg:$0x5] =	wrdreg $0x9  }
0xb3: {  	_ =	task.clear_ibuf [dreg:s8], $0x6FFFF;
	_ =	strace $0x90000046  }
0xb4: {  	s29 =	simm.s32 $0x9;
	_ =	strace $0x80000048  }
0xb5: {  	_ =	swait.ge [sflag:s29], $0x1  }
0xb6: {  	[sflag:s29] =	ssyncadd.s32 $0xFFFFFFFF  }
0xb7: {  	_ =	strace $0x90000048  }
0xb8: {  	_ =	sfence  }
0xb9: {  	s30 =	sld [smem:$0x0];
	_ =	sdelay $0x2  }
0xba: {  	s31 =	sshll.u32 s1, $0xD;
	s1 =	sshrl.u32 s1, $0x2  }
0xbb: {  	s3 =	sand.u32 $0x4000, s31;
	s1 =	sadd.s32 s1, s30  }
0xbc: {  	s0 =	sor.u32 s3, s0;
	s1 =	sshll.u32 s1, $0x11  }
0xbd: {  	s0 =	sor.u32 s1, s0  }
0xbe: {  	s0 =	sadd.s32 $0x8F2B, s0  }
0xbf: {  	[sflag:s0] =	ssyncadd.remote.s32 $0x1  }
0xc0: {  	_ =	sfence.sel $0xFFFF  }
0xc1: {  	[dreg:$0x0] =	wrdreg $0xFFFFFFFF;
	(pc) =	sbr.abs _section_cstart, $3  }
0xc2: {  	[dreg:$0x1] =	wrdreg $0xFFFFFFFF  }
0xc3: {  	_ =	task.clear_ibuf [dreg:s8], $0x2FFFF;
	_ =	strace $0x9FFFFFFF  }
0xc4: {  	(tm) =	ssettm $0x7FFFFFFF  }
0xc5: {  	_ =	shalt  }
tec
execute0_lowered:
.L_overlay_start_1:
0x0: {  	(tag) =	ssettag $0x1  }
0x1: {  	s4 =	rddreg [dreg:$0x0]  }
0x2: {  	s2 =	rddreg [dreg:$0x1]  }
0x3: {  	s5 =	rddreg [dreg:$0x2];
	s3 =	srdreg.scid  }
0x4: {  	s0 =	rddreg [dreg:$0x3];
	s1 =	stileid.u32;
	s10 =	simm.s32 $0x1  }
0x5: {  	s11 =	simm.s32 $0x2;
	s12 =	simm.s32 $0xE080;
	s13 =	simm.s32 $0x3  }
0x6: {  	s14 =	simm.s32 $0x0;
	s6 =	sand.u32 $0x1, s3;
	s3 =	simm.s32 $0x0  }
0x7: {  	s7 =	sshll.u32 s1, $0xA;
	s8 =	sshll.u32 s6, $0x9;
	[smem:$0x7FF] =	sst s3  }
0x8: {  	s6 =	ssub.s32 $0x2, s6;
	s7 =	sor.u32 s8, s7;
	_ =	strace $0x80000047  }
0x9: {  	s31 =	sshrl.u32 s6, $0x1;
	s8 =	simm.s32 $0x1000;
	s9 =	sshrl.u32 s7, $0x3  }
0xa: {  	s6 =	ssub.s32 s6, s31;
	s4 =	sadd.s32 s4, s7;
	s7 =	simm.s32 $0x4000  }
0xb: {  	s5 =	sadd.s32 s5, s9;
	s6 =	smax.u32 s6, $0x1;
	s9 =	simm.s32 $0x20000  }
.LBB2_1:
0xc: {  	[tilespmem:s7], [sflag:$0x2] =	stream.linear.gather [hbm4b:s2+s3], $0xA080, $0x38;
	[tilespmem:$0xE280] =	vst v63  }
0xd: {  	_ = 	snop  }
0xe: {  	[tilespmem:s3], [sflag:$0x1] =	stream.strided.gather [hbm4b:s4+s8], $0x4000, s9, s8, $0x38;
	[tilespmem:$0xE280] =	vst v63  }
0xf: {  	_ =	swait.ge [sflag:s10], $0x4000  }
0x10: {  	[sflag:s10] =	ssyncset.done $0x0  }
0x11: {  	[sflag:s10] =	ssyncadd.s32 $0xFFFFC000  }
0x12: {  	_ =	swait.ge [sflag:s11], $0xA080  }
0x13: {  	s15 =	sand.u32 $0x70, s3;
	s16 =	sand.u32 $0xC00, s3;
	[sflag:s11] =	ssyncset.done $0x0  }
0x14: {  	s16 =	sor.u32 s15, s16;
	[sflag:s11] =	ssyncadd.s32 $0xFFFF5F80  }
0x15: {  	v0 =	vld [tilespmem:s16+$0x3300]  }
0x16: {  	v15 =	vld [tilespmem:s16+$0x3380]  }
0x17: {  	v1 =	vld [tilespmem:s16+$0x3280]  }
0x18: {  	v3 =	vld [tilespmem:s16+$0x3100]  }
0x19: {  	v4 =	vld [tilespmem:s16+$0x3000]  }
0x1a: {  	v6 =	vld [tilespmem:s16+$0x3080]  }
0x1b: {  	v8 =	vld [tilespmem:s16+$0x2200]  }
0x1c: {  	v9 =	vld [tilespmem:s16+$0x2000]  }
0x1d: {  	v10 =	vld [tilespmem:s16+$0x3180]  }
0x1e: {  	v11 =	vld [tilespmem:s16+$0x2300]  }
0x1f: {  	v23 =	vld [tilespmem:s16+$0x1200]  }
0x20: {  	v12 =	vld [tilespmem:s16+$0x2080]  }
0x21: {  	v13 =	vld [tilespmem:s16+$0x2380]  }
0x22: {  	v7 =	vld [tilespmem:s16+$0x1000]  }
0x23: {  	v2 =	vld [tilespmem:s16+$0x2280]  }
0x24: {  	v16 =	vld [tilespmem:s16+$0x1300]  }
0x25: {  	v17 =	vld [tilespmem:s16+$0x2100]  }
0x26: {  	v19 =	vld [tilespmem:s16+$0x180]  }
0x27: {  	v18 =	vld [tilespmem:s16+$0x2180]  }
0x28: {  	v20 =	vld [tilespmem:s16+$0x1380]  }
0x29: {  	v25 =	vld [tilespmem:s16+$0x1080]  }
0x2a: {  	v21 =	vld [tilespmem:s16+$0x1280]  }
0x2b: {  	v27 =	vld [tilespmem:s16+$0x1100]  }
0x2c: {  	v28 =	vld [tilespmem:s16+$0x300]  }
0x2d: {  	v24 =	vld [tilespmem:s16+$0x1180]  }
0x2e: {  	v29 =	vld [tilespmem:s16+$0x200];
	v14 =	vadd.s32 $0x1, v2  }
0x2f: {  	v30 =	vld [tilespmem:s16+$0x280];
	v2 =	vadd.s32 $0x1, v0;
	v0 =	vadd.s32 $0x1, v1;
	v5 =	vadd.s32 $0x1, v3  }
0x30: {  	v32 =	vld [tilespmem:s16+$0x380];
	v1 =	vadd.s32 $0x1, v4;
	v6 =	vadd.s32 $0x1, v6;
	v31 =	vadd.s32 $0x1, v7  }
0x31: {  	v22 =	vld [tilespmem:s16+$0x0];
	v3 =	vadd.s32 $0x1, v8;
	v4 =	vadd.s32 $0x1, v10;
	v9 =	vadd.s32 $0x1, v9  }
0x32: {  	v26 =	vld [tilespmem:s16+$0x80];
	v8 =	vadd.s32 $0x1, v11;
	v33 =	vadd.s32 $0x1, v24;
	v11 =	vadd.s32 $0x1, v12  }
0x33: {  	v12 =	vadd.s32 $0x1, v17;
	v24 =	vld [tilespmem:s16+$0x100];
	v20 =	vadd.s32 $0x1, v20;
	v29 =	vadd.s32 $0x1, v29  }
0x34: {  	v17 =	vadd.s32 $0x1, v21;
	v21 =	vadd.s32 $0x1, v28;
	v30 =	vadd.s32 $0x1, v30;
	v7 =	vld.idx.msk [tilespmem:v14+s7+$0x0], $0xffff  }
0x35: {  	v25 =	vadd.s32 $0x1, v25;
	v14 =	vadd.s32 $0x1, v13;
	v13 =	vadd.s32 $0x1, v16;
	v10 =	vld.idx.msk [tilespmem:v31+s7+$0x0], $0xffff  }
0x36: {  	s17 =	simm.s32 $0x10;
	v16 =	vadd.s32 $0x1, v18;
	v18 =	vadd.s32 $0x1, v27;
	v27 =	vadd.s32 $0x1, v32;
	v9 =	vld.idx.msk [tilespmem:v9+s7+$0x0], $0xffff  }
0x37: {  	s18 =	simm.s32 $0x0;
	s19 =	simm.s32 $0xE080;
	s15 =	simm.s32 $0xE080;
	v28 =	vadd.s32 $0x1, v19;
	v23 =	vadd.s32 $0x1, v23;
	v15 =	vadd.s32 $0x1, v15;
	v19 =	vld.idx.msk [tilespmem:v33+s7+$0x0], $0xffff  }
.LBB2_2:
0x38: {  	p0 =	sne.s32 s17, $0x1F0;
	v22 =	vadd.s32 $0x1, v22;
	v24 =	vadd.s32 $0x1, v24;
	v29 =	vld.idx.msk [tilespmem:v29+s7+$0x0], $0xffff;
	s18 =	sadd.s32 $0x80, s18;
	s19 =	sadd.s32 $0x10, s19  }
0x39: {  	s20 =	smov.u32 s17;
	s17 =	sadd.s32 $0x10, s17;
	v26 =	vadd.s32 $0x1, v26;
	v30 =	vld.idx.msk [tilespmem:v30+s7+$0x0], $0xffff  }
0x3a: {  	v20 =	vld.idx.msk [tilespmem:v20+s7+$0x0], $0xffff  }
0x3b: {  	v27 =	vld.idx.msk [tilespmem:v27+s7+$0x0], $0xffff  }
0x3c: {  	v28 =	vld.idx.msk [tilespmem:v28+s7+$0x0], $0xffff  }
0x3d: {  	v25 =	vld.idx.msk [tilespmem:v25+s7+$0x0], $0xffff  }
0x3e: {  	v21 =	vld.idx.msk [tilespmem:v21+s7+$0x0], $0xffff  }
0x3f: {  	v14 =	vld.idx.msk [tilespmem:v14+s7+$0x0], $0xffff  }
0x40: {  	v26 =	vld.idx.msk [tilespmem:v26+s7+$0x0], $0xffff  }
0x41: {  	v24 =	vld.idx.msk [tilespmem:v24+s7+$0x0], $0xffff  }
0x42: {  	v28 =	vadd.f32 $0.0e+00, v28;
	v23 =	vld.idx.msk [tilespmem:v23+s7+$0x0], $0xffff  }
0x43: {  	v16 =	vld.idx.msk [tilespmem:v16+s7+$0x0], $0xffff  }
0x44: {  	v27 =	vadd.f32 v27, v28;
	v18 =	vld.idx.msk [tilespmem:v18+s7+$0x0], $0xffff  }
0x45: {  	v17 =	vld.idx.msk [tilespmem:v17+s7+$0x0], $0xffff  }
0x46: {  	v26 =	vadd.f32 $0.0e+00, v26;
	v19 =	vadd.f32 v19, v27;
	v22 =	vld.idx.msk [tilespmem:v22+s7+$0x0], $0xffff  }
0x47: {  	v24 =	vadd.f32 $0.0e+00, v24;
	v13 =	vld.idx.msk [tilespmem:v13+s7+$0x0], $0xffff  }
0x48: {  	v26 =	vadd.f32 v30, v26;
	v19 =	vadd.f32 v20, v19;
	v11 =	vld.idx.msk [tilespmem:v11+s7+$0x0], $0xffff  }
0x49: {  	v20 =	vadd.f32 v21, v24;
	v12 =	vld.idx.msk [tilespmem:v12+s7+$0x0], $0xffff  }
0x4a: {  	v21 =	vadd.f32 v25, v26;
	v16 =	vadd.f32 v16, v19;
	v19 =	vld [tilespmem:s16+$0x3200]  }
0x4b: {  	v18 =	vadd.f32 v18, v20;
	v8 =	vld.idx.msk [tilespmem:v8+s7+$0x0], $0xffff  }
0x4c: {  	v17 =	vadd.f32 v17, v21;
	v14 =	vadd.f32 v14, v16;
	v6 =	vld.idx.msk [tilespmem:v6+s7+$0x0], $0xffff  }
0x4d: {  	v16 =	vadd.f32 $0.0e+00, v22;
	v13 =	vadd.f32 v13, v18;
	v5 =	vld.idx.msk [tilespmem:v5+s7+$0x0], $0xffff  }
0x4e: {  	v11 =	vadd.f32 v11, v17;
	v15 =	vld.idx.msk [tilespmem:v15+s7+$0x0], $0xffff  }
0x4f: {  	v16 =	vadd.f32 v29, v16;
	v12 =	vadd.f32 v12, v13;
	v13 =	vadd.s32 $0x1, v19  }
0x50: {  	v7 =	vadd.f32 v7, v11;
	v2 =	vld.idx.msk [tilespmem:v2+s7+$0x0], $0xffff  }
0x51: {  	v10 =	vadd.f32 v10, v16;
	v8 =	vadd.f32 v8, v12;
	v3 =	vld.idx.msk [tilespmem:v3+s7+$0x0], $0xffff  }
0x52: {  	v6 =	vadd.f32 v6, v7;
	v4 =	vld.idx.msk [tilespmem:v4+s7+$0x0], $0xffff  }
0x53: {  	v7 =	vadd.f32 v23, v10;
	v5 =	vadd.f32 v5, v8;
	v1 =	vld.idx.msk [tilespmem:v1+s7+$0x0], $0xffff  }
0x54: {  	v0 =	vld.idx.msk [tilespmem:v0+s7+$0x0], $0xffff  }
0x55: {  	v7 =	vadd.f32 v9, v7;
	v8 =	vld.idx.msk [tilespmem:v13+s7+$0x0], $0xffff;
	_ =	sdelay $0x1  }
0x56: {  	v3 =	vadd.f32 v3, v7  }
0x57: {  	v4 =	vadd.f32 v4, v14  }
0x58: {  	v1 =	vadd.f32 v1, v3  }
0x59: {  	v0 =	vadd.f32 v0, v6;
	v3 =	vadd.f32 v15, v4  }
0x5a: {  	v2 =	vadd.f32 v2, v5;
	v1 =	vadd.f32 v8, v1;
	_ =	sdelay $0x1  }
0x5b: {  	v0 =	vadd.f32 v0, v1;
	v1 =	vadd.f32 v3, v2;
	_ =	sdelay $0x1  }
0x5c: {  	s16 =	sand.u32 $0x70, s20;
	s20 =	sand.u32 $0xC00, s18;
	v0 =	vadd.f32 v1, v0  }
0x5d: {  	s16 =	sor.u32 s16, s20  }
0x5e: {  	[tilespmem:s15+$0x0] =	vst v0;
	s15 =	smov.u32 s19  }
0x5f: {  	v0 =	vld [tilespmem:s16+$0x3300]  }
0x60: {  	v15 =	vld [tilespmem:s16+$0x3380]  }
0x61: {  	v1 =	vld [tilespmem:s16+$0x3280]  }
0x62: {  	v3 =	vld [tilespmem:s16+$0x3100]  }
0x63: {  	v4 =	vld [tilespmem:s16+$0x3000]  }
0x64: {  	v6 =	vld [tilespmem:s16+$0x3080];
	v2 =	vadd.s32 $0x1, v0  }
0x65: {  	v7 =	vld [tilespmem:s16+$0x2200]  }
0x66: {  	v9 =	vld [tilespmem:s16+$0x2000];
	v0 =	vadd.s32 $0x1, v1  }
0x67: {  	v5 =	vadd.s32 $0x1, v3;
	v8 =	vld [tilespmem:s16+$0x3180]  }
0x68: {  	v10 =	vld [tilespmem:s16+$0x2300];
	v1 =	vadd.s32 $0x1, v4  }
0x69: {  	v23 =	vld [tilespmem:s16+$0x1200];
	v6 =	vadd.s32 $0x1, v6  }
0x6a: {  	v11 =	vld [tilespmem:s16+$0x2080];
	v3 =	vadd.s32 $0x1, v7  }
0x6b: {  	v7 =	vld [tilespmem:s16+$0x2380]  }
0x6c: {  	v16 =	vld [tilespmem:s16+$0x1000];
	v4 =	vadd.s32 $0x1, v8  }
0x6d: {  	v17 =	vld [tilespmem:s16+$0x2280];
	v8 =	vadd.s32 $0x1, v10  }
0x6e: {  	v10 =	vld [tilespmem:s16+$0x1300]  }
0x6f: {  	v12 =	vld [tilespmem:s16+$0x2100]  }
0x70: {  	v19 =	vld [tilespmem:s16+$0x180];
	v14 =	vadd.s32 $0x1, v7  }
0x71: {  	v7 =	vld [tilespmem:s16+$0x2180]  }
0x72: {  	v18 =	vld [tilespmem:s16+$0x1380]  }
0x73: {  	v11 =	vadd.s32 $0x1, v11;
	v25 =	vld [tilespmem:s16+$0x1080];
	v13 =	vadd.s32 $0x1, v10  }
0x74: {  	v21 =	vadd.s32 $0x1, v17;
	v10 =	vld [tilespmem:s16+$0x1280];
	v12 =	vadd.s32 $0x1, v12  }
0x75: {  	v27 =	vadd.s32 $0x1, v16;
	v22 =	vld [tilespmem:s16+$0x1100]  }
0x76: {  	v24 =	vld [tilespmem:s16+$0x300];
	v16 =	vadd.s32 $0x1, v7  }
0x77: {  	v26 =	vld [tilespmem:s16+$0x1180];
	v20 =	vadd.s32 $0x1, v18  }
0x78: {  	v28 =	vld [tilespmem:s16+$0x200]  }
0x79: {  	v30 =	vld [tilespmem:s16+$0x280];
	v17 =	vadd.s32 $0x1, v10  }
0x7a: {  	v18 =	vadd.s32 $0x1, v22;
	v7 =	vld.idx.msk [tilespmem:v21+s7+$0x0], $0xffff  }
0x7b: {  	v9 =	vadd.s32 $0x1, v9;
	v21 =	vadd.s32 $0x1, v24;
	v31 =	vld [tilespmem:s16+$0x380]  }
0x7c: {  	v22 =	vld [tilespmem:s16+$0x0];
	v32 =	vadd.s32 $0x1, v26  }
.Ltmp0:
0x7d: {  	v24 =	vld [tilespmem:s16+$0x100];
	v29 =	vadd.s32 $0x1, v28;
	(pc) =	sbr.rel @p0 .LBB2_2-.Ltmp0, $4  }
0x7e: {  	v26 =	vld [tilespmem:s16+$0x80];
	v30 =	vadd.s32 $0x1, v30  }
0x7f: {  	v10 =	vld.idx.msk [tilespmem:v27+s7+$0x0], $0xffff  }
0x80: {  	v25 =	vadd.s32 $0x1, v25;
	v27 =	vadd.s32 $0x1, v31;
	v9 =	vld.idx.msk [tilespmem:v9+s7+$0x0], $0xffff  }
0x81: {  	v15 =	vadd.s32 $0x1, v15;
	v23 =	vadd.s32 $0x1, v23;
	v28 =	vadd.s32 $0x1, v19;
	v19 =	vld.idx.msk [tilespmem:v32+s7+$0x0], $0xffff  }
0x82: {  	_ =	sdelay $0x3  }
0x83: {  	v29 =	vld.idx.msk [tilespmem:v29+s7+$0x0], $0xffff  }
0x84: {  	v30 =	vld.idx.msk [tilespmem:v30+s7+$0x0], $0xffff  }
0x85: {  	v20 =	vld.idx.msk [tilespmem:v20+s7+$0x0], $0xffff  }
0x86: {  	v27 =	vld.idx.msk [tilespmem:v27+s7+$0x0], $0xffff  }
0x87: {  	v28 =	vld.idx.msk [tilespmem:v28+s7+$0x0], $0xffff  }
0x88: {  	v25 =	vld.idx.msk [tilespmem:v25+s7+$0x0], $0xffff  }
0x89: {  	v21 =	vld.idx.msk [tilespmem:v21+s7+$0x0], $0xffff  }
0x8a: {  	v24 =	vadd.s32 $0x1, v24;
	v14 =	vld.idx.msk [tilespmem:v14+s7+$0x0], $0xffff  }
0x8b: {  	v22 =	vadd.s32 $0x1, v22;
	v23 =	vld.idx.msk [tilespmem:v23+s7+$0x0], $0xffff  }
0x8c: {  	v16 =	vld.idx.msk [tilespmem:v16+s7+$0x0], $0xffff;
	v26 =	vadd.s32 $0x1, v26  }
0x8d: {  	v18 =	vld.idx.msk [tilespmem:v18+s7+$0x0], $0xffff  }
0x8e: {  	v17 =	vld.idx.msk [tilespmem:v17+s7+$0x0], $0xffff  }
0x8f: {  	v24 =	vld.idx.msk [tilespmem:v24+s7+$0x0], $0xffff  }
0x90: {  	v22 =	vld.idx.msk [tilespmem:v22+s7+$0x0], $0xffff  }
0x91: {  	v26 =	vld.idx.msk [tilespmem:v26+s7+$0x0], $0xffff  }
0x92: {  	v13 =	vld.idx.msk [tilespmem:v13+s7+$0x0], $0xffff  }
0x93: {  	v11 =	vld.idx.msk [tilespmem:v11+s7+$0x0], $0xffff  }
0x94: {  	v31 =	vld [tilespmem:s16+$0x3200]  }
0x95: {  	v12 =	vld.idx.msk [tilespmem:v12+s7+$0x0], $0xffff;
	v28 =	vadd.f32 $0.0e+00, v28;
	v22 =	vadd.f32 $0.0e+00, v22  }
0x96: {  	v8 =	vld.idx.msk [tilespmem:v8+s7+$0x0], $0xffff;
	v24 =	vadd.f32 $0.0e+00, v24;
	v26 =	vadd.f32 $0.0e+00, v26  }
0x97: {  	v6 =	vld.idx.msk [tilespmem:v6+s7+$0x0], $0xffff;
	v27 =	vadd.f32 v27, v28;
	v22 =	vadd.f32 v29, v22  }
0x98: {  	v5 =	vld.idx.msk [tilespmem:v5+s7+$0x0], $0xffff;
	v21 =	vadd.f32 v21, v24;
	v26 =	vadd.f32 v30, v26  }
0x99: {  	v15 =	vld.idx.msk [tilespmem:v15+s7+$0x0], $0xffff;
	v59 =	vadd.s32 $0x1, v31;
	v19 =	vadd.f32 v19, v27;
	v10 =	vadd.f32 v10, v22  }
0x9a: {  	v3 =	vld.idx.msk [tilespmem:v3+s7+$0x0], $0xffff;
	v18 =	vadd.f32 v18, v21;
	v58 =	vadd.f32 v25, v26  }
0x9b: {  	v4 =	vld.idx.msk [tilespmem:v4+s7+$0x0], $0xffff;
	v19 =	vadd.f32 v20, v19;
	v10 =	vadd.f32 v23, v10  }
0x9c: {  	v1 =	vld.idx.msk [tilespmem:v1+s7+$0x0], $0xffff;
	v13 =	vadd.f32 v13, v18;
	v17 =	vadd.f32 v17, v58  }
0x9d: {  	v2 =	vld.idx.msk [tilespmem:v2+s7+$0x0], $0xffff;
	v16 =	vadd.f32 v16, v19;
	v9 =	vadd.f32 v9, v10  }
0x9e: {  	v61 =	vld.idx.msk [tilespmem:v59+s7+$0x0], $0xffff;
	v12 =	vadd.f32 v12, v13;
	v11 =	vadd.f32 v11, v17  }
0x9f: {  	v0 =	vld.idx.msk [tilespmem:v0+s7+$0x0], $0xffff;
	v60 =	vadd.f32 v14, v16;
	v3 =	vadd.f32 v3, v9  }
0xa0: {  	v8 =	vadd.f32 v8, v12;
	v7 =	vadd.f32 v7, v11  }
0xa1: {  	v4 =	vadd.f32 v4, v60;
	v1 =	vadd.f32 v1, v3  }
0xa2: {  	v5 =	vadd.f32 v5, v8;
	v6 =	vadd.f32 v6, v7  }
0xa3: {  	v62 =	vadd.f32 v15, v4;
	v1 =	vadd.f32 v61, v1  }
0xa4: {  	v2 =	vadd.f32 v2, v5;
	v0 =	vadd.f32 v0, v6;
	_ =	sdelay $0x1  }
0xa5: {  	v63 =	vadd.f32 v62, v2;
	v0 =	vadd.f32 v0, v1;
	_ =	sdelay $0x1  }
0xa6: {  	s14 =	sadd.s32 $0x1, s14;
	v0 =	vadd.f32 v63, v0  }
0xa7: {  	p0 =	sne.s32 s14, s6  }
.Ltmp1:
0xa8: {  	[tilespmem:s15+$0x0] =	vst v0;
	(pc) =	sbr.rel @p0 .LBB2_1-.Ltmp1, $4  }
0xa9: {  	[hbm4b:s5+s3] =	stream.linear.scatter [tilespmem:s12], [sflag:$0x3], $0x200, $0x38;
	[tilespmem:$0xE280] =	vst v63  }
0xaa: {  	_ =	swait.ge [sflag:s13], $0x200  }
0xab: {  	[sflag:s13] =	ssyncset.done $0x0  }
0xac: {  	[sflag:s13] =	ssyncadd.s32 $0xFFFFFE00  }
0xad: {  	_ =	sfence.sel $0x180000  }
0xae: {  	[bflag:$0x0] =	sbarrier.arrive $0xFFFF  }
0xaf: {  	p0 =	sne.s32 s1, $0x0;
	_ =	strace $0x90000047  }
0xb0: {  	s0 =	sadd.s32 @!p0 $0x100000, s0;
	[bflag:$0x2] =	sbarrier.arrive $0xFFFF  }
0xb1: {  	[sflag:s0] =	ssyncadd.tile.s32 @!p0 $0x1;
	_ =	shalt  }
.Lfunc_end2:
_tile_overlayer_lowered:
.L_overlay_start_2:
0xb2: {  	(tag) =	ssettag $0x2  }
0xb3: {  	s0 =	rddreg [dreg:$0x0];
	s2 =	stileid.u32  }
0xb4: {  	s1 =	rddreg [dreg:$0x1];
	p0 =	sne.s32 s2, $0x0  }
0xb5: {  	s3 =	rddreg [dreg:$0x2];
	[bflag:$0x3] =	sbarrier.arrive $0xFFFF;
	s2 =	simm.s32 @!p0 $0x1C03  }
0xb6: {  	[timem:s3], [sflag:s2] =	dma.local @!p0 [hbm:s0], s1  }
0xb7: {  	s0 =	simm.s32 @!p0 $0x3  }
0xb8: {  	_ =	swait.ge @!p0 [sflag:s0], s1  }
0xb9: {  	s1 =	ssub.s32 @!p0 $0x0, s1;
	[sflag:s0] =	ssyncset.done @!p0 $0x0  }
0xba: {  	[sflag:s0] =	ssyncadd.s32 @!p0 s1  }
0xbb: {  	[bflag:$0x3] =	sbarrier.arrive $0xFFFF  }
0xbc: {  	_ =	shalt  }

</sc_bundles>
